<compile_context>
chip_gen: v7x
topology: tpu7x:2x2x1
jax: 0.10.2.dev20260603
libtpu: 0.0.44.dev20260713+nightly
codegen_flags: <defaults>
</compile_context>

<pallas_src>
import functools
import math

import jax
import jax.numpy as jnp
from jax import lax
from jax.experimental import pallas as pl
from jax.experimental.pallas import tpu as pltpu
from jax.experimental.pallas import tpu_sc as plsc

_NUM_SAMPLED = 1000
_S_PAD = 1024
_NC, _NS = 2, 16
_NW = _NC * _NS
_MASK_SUB = 1e9
_NEG_BIG = 1e30


def _sampled_constants(V):
    u = jax.random.uniform(jax.random.key(42), (_NUM_SAMPLED,), dtype=jnp.float32)
    ids = jnp.floor(jnp.exp(u * jnp.log(jnp.float32(V + 1.0)))).astype(jnp.int32) - 1
    sampled = jnp.clip(ids, 0, V - 1)
    idsf = sampled.astype(jnp.float32)
    p_samp = (jnp.log(idsf + 2.0) - jnp.log(idsf + 1.0)) / jnp.log(jnp.float32(V + 1.0))
    logq = jnp.log(p_samp * _NUM_SAMPLED)
    pad = _S_PAD - _NUM_SAMPLED
    sampled_pad = jnp.pad(sampled, (0, pad))
    logq_pad = jnp.pad(logq, (0, pad), constant_values=_NEG_BIG)
    return sampled_pad, logq_pad


def _make_sc_gather(VP, d2, B):
    s_per_w = _S_PAD // _NW
    b_per_w = B // _NW
    mesh = plsc.VectorSubcoreMesh(core_axis_name="c", subcore_axis_name="s")

    @functools.partial(
        pl.kernel,
        mesh=mesh,
        out_type=(
            jax.ShapeDtypeStruct((_S_PAD, d2), jnp.float32),
            jax.ShapeDtypeStruct((B, d2), jnp.float32),
        ),
        scratch_types=[
            pltpu.VMEM((s_per_w,), jnp.int32),
            pltpu.VMEM((b_per_w,), jnp.int32),
            pltpu.VMEM((s_per_w, d2), jnp.float32),
            pltpu.VMEM((b_per_w, d2), jnp.float32),
            pltpu.SemaphoreType.DMA,
        ],
    )
    def gather(table_hbm, spair_hbm, tpair_hbm, samp_out, true_out,
               idx_s, idx_t, rows_s, rows_t, sem):
        wid = lax.axis_index("s") * _NC + lax.axis_index("c")
        bs = wid * s_per_w
        bt = wid * b_per_w
        pltpu.sync_copy(spair_hbm.at[pl.ds(bs, s_per_w)], idx_s)
        pltpu.sync_copy(tpair_hbm.at[pl.ds(bt, b_per_w)], idx_t)
        cp_s = pltpu.async_copy(table_hbm.at[idx_s], rows_s, sem)
        cp_t = pltpu.async_copy(table_hbm.at[idx_t], rows_t, sem)
        cp_s.wait()
        cp_t.wait()
        pltpu.sync_copy(rows_s, samp_out.at[pl.ds(bs, s_per_w)])
        pltpu.sync_copy(rows_t, true_out.at[pl.ds(bt, b_per_w)])

    return gather


def _loss_body(inv_logv1, d, user_ref, truep_ref, sampp_ref, tids_ref,
               sids_ref, sidc_ref, logq_ref, out_ref):
    u = user_ref[...]
    tp = truep_ref[...]
    sp = sampp_ref[...]
    t = tids_ref[...]
    sids = sids_ref[...]
    sidc = sidc_ref[...]
    logq = logq_ref[...]

    todd = (t & 1) == 1
    tw = jnp.where(todd, tp[:, d:], tp[:, :d])
    sw = jnp.where((sidc & 1) == 1, sp[:, d:], sp[:, :d])

    logits = lax.dot_general(
        u, sw, dimension_numbers=(((1,), (1,)), ((), ())),
        preferred_element_type=jnp.float32,
        precision=lax.Precision.HIGHEST,
    ) - logq
    logits = jnp.where(t == sids, logits - _MASK_SUB, logits)

    tf = t.astype(jnp.float32)
    p_true = (jnp.log(tf + 2.0) - jnp.log(tf + 1.0)) * inv_logv1
    true_logit = (jnp.sum(u * tw, axis=1, keepdims=True)
                  - jnp.log(p_true * _NUM_SAMPLED))

    m = jnp.maximum(jnp.max(logits, axis=1, keepdims=True), true_logit)
    ssum = (jnp.sum(jnp.exp(logits - m), axis=1, keepdims=True)
            + jnp.exp(true_logit - m))
    out_ref[...] = jnp.log(ssum) + m - true_logit


def kernel(item_embeddings, user_embeddings, item_idx, zero_bias):
    V, d = item_embeddings.shape
    B = user_embeddings.shape[0]
    del zero_bias

    sampled_pad, logq_pad = _sampled_constants(V)
    true_ids = item_idx[:, 0]

    table128 = item_embeddings.reshape(V // 2, 2 * d)
    samp_p, true_p = _make_sc_gather(V // 2, 2 * d, B)(
        table128, sampled_pad >> 1, true_ids >> 1)

    R = 1024
    inv_logv1 = 1.0 / math.log(V + 1.0)
    loss = pl.pallas_call(
        functools.partial(_loss_body, inv_logv1, d),
        grid=(B // R,),
        in_specs=[
            pl.BlockSpec((R, d), lambda i: (i, 0)),
            pl.BlockSpec((R, 2 * d), lambda i: (i, 0)),
            pl.BlockSpec((_S_PAD, 2 * d), lambda i: (0, 0)),
            pl.BlockSpec((R, 1), lambda i: (i, 0)),
            pl.BlockSpec((1, _S_PAD), lambda i: (0, 0)),
            pl.BlockSpec((_S_PAD, 1), lambda i: (0, 0)),
            pl.BlockSpec((1, _S_PAD), lambda i: (0, 0)),
        ],
        out_specs=pl.BlockSpec((R, 1), lambda i: (i, 0)),
        out_shape=jax.ShapeDtypeStruct((B, 1), jnp.float32),
    )(user_embeddings, true_p, samp_p, item_idx,
      sampled_pad[None, :], sampled_pad[:, None], logq_pad[None, :])
    return loss

# --- scband reference (transcript-rebuilt; emitter-appended) ---
"""Pipeline reference for scband-sampled-softmax-layer-7370163880450 (READ-ONLY COPY).

The authoritative reference and input builder live on the scoring server;
editing this copy changes nothing except your own understanding.
"""

import jax, jax.numpy as jnp
import numpy as np

NUM_SAMPLED = 1000


def _log_uniform_sample(key, num_sampled, range_max):
    # TF log_uniform_candidate_sampler: P(k) = (log(k+2)-log(k+1))/log(range_max+1)
    u = jax.random.uniform(key, (num_sampled,), dtype=jnp.float32)
    ids = jnp.floor(jnp.exp(u * jnp.log(jnp.float32(range_max + 1.0)))).astype(jnp.int32) - 1
    return jnp.clip(ids, 0, range_max - 1)


def _log_uniform_prob(ids, range_max):
    idsf = ids.astype(jnp.float32)
    return (jnp.log(idsf + 2.0) - jnp.log(idsf + 1.0)) / jnp.log(jnp.float32(range_max + 1.0))


def setup_inputs(seed: int = 0) -> dict:
    key = jax.random.key(seed)
    k1, k2, k3 = jax.random.split(key, 3)
    V, d, B = 100000, 64, 4096
    item_embeddings = jax.random.normal(k1, (V, d), dtype=jnp.float32)
    user_embeddings = jax.random.normal(k2, (B, d), dtype=jnp.float32)
    item_idx = jax.random.randint(k3, (B, 1), 0, V, dtype=jnp.int32)
    zero_bias = jnp.zeros((V,), dtype=jnp.float32)  # layer weight 'bias' (zeros, non-trainable)
    return {"item_embeddings": item_embeddings, "user_embeddings": user_embeddings, "item_idx": item_idx, "zero_bias": zero_bias}


def reference(item_embeddings, user_embeddings, item_idx, zero_bias):
    # Faithful port of tf.nn.sampled_softmax_loss with log-uniform candidate sampling,
    # expected-count logit correction and remove_accidental_hits (default True).
    V = item_embeddings.shape[0]
    sampled = _log_uniform_sample(jax.random.key(42), NUM_SAMPLED, V)  # shared across batch, like TF
    true_ids = item_idx[:, 0]
    p_true = _log_uniform_prob(true_ids, V)
    p_samp = _log_uniform_prob(sampled, V)
    # true logits: per-row dot(user, item_emb[true]) + bias - log(expected_count)
    true_w = jnp.take(item_embeddings, true_ids, axis=0)            # [B, d] gather
    true_b = jnp.take(zero_bias, true_ids, axis=0)                  # [B]
    true_logits = jnp.sum(user_embeddings * true_w, axis=1) + true_b - jnp.log(p_true * NUM_SAMPLED)
    # sampled logits: user @ item_emb[sampled].T + bias - log(expected_count)
    samp_w = jnp.take(item_embeddings, sampled, axis=0)             # [S, d] gather
    samp_b = jnp.take(zero_bias, sampled, axis=0)                   # [S]
    sampled_logits = user_embeddings @ samp_w.T + samp_b[None, :] - jnp.log(p_samp * NUM_SAMPLED)[None, :]
    # remove accidental hits: mask sampled candidates equal to the true label
    hit = true_ids[:, None] == sampled[None, :]
    sampled_logits = jnp.where(hit, sampled_logits - 1e9, sampled_logits)
    # softmax cross entropy with one-hot label at column 0 (the true class)
    logits = jnp.concatenate([true_logits[:, None], sampled_logits], axis=1)  # [B, 1+S]
    loss = jax.nn.logsumexp(logits, axis=1) - logits[:, 0]
    return loss[:, None]  # tf.expand_dims(loss, axis=1)

if __name__ == "__main__":
    import jax
    _d = setup_inputs()
    print(jax.jit(kernel)(*tuple(_d.values())))

</pallas_src>

<mosaic_0001>
#map = affine_map<(d0, d1) -> (0, 0)>
#map1 = affine_map<(d0, d1) -> (0)>
module attributes {stable_mosaic.version = 14 : i64} {
  func.func @gather(%arg0: i32, %arg1: i32, %arg2: memref<50000x128xf32, #tpu.memory_space<hbm>>, %arg3: memref<1024xi32, #tpu.memory_space<hbm>>, %arg4: memref<4096xi32, #tpu.memory_space<hbm>>, %arg5: memref<1024x128xf32, #tpu.memory_space<hbm>>, %arg6: memref<4096x128xf32, #tpu.memory_space<hbm>>, %arg7: memref<32xi32, #tpu.memory_space<vmem>>, %arg8: memref<128xi32, #tpu.memory_space<vmem>>, %arg9: memref<32x128xf32, #tpu.memory_space<vmem>>, %arg10: memref<128x128xf32, #tpu.memory_space<vmem>>, %arg11: memref<!tpu.dma_semaphore, #tpu.memory_space<semaphore_mem>>) attributes {dimension_semantics = [#tpu.dimension_semantics<core_parallel>, #tpu.dimension_semantics<subcore_parallel>], iteration_bounds = array<i64: 2, 16>, scalar_prefetch = 0 : i64, scratch_operands = 5 : i64, tpu.core_type = #tpu.core_type<sc_vector_subcore>, window_params = [{transform_indices = #map}, {transform_indices = #map1}, {transform_indices = #map1}, {transform_indices = #map}, {transform_indices = #map}]} {
    %mul3A = arith.constant 2 : i32
    %mul3A_0 = arith.muli %arg1, %mul3A : i32
    %add3A = arith.addi %mul3A_0, %arg0 : i32
    %mul3A_1 = arith.constant 32 : i32
    %mul3A_2 = arith.muli %add3A, %mul3A_1 : i32
    %mul3A_3 = arith.constant 128 : i32
    %mul3A_4 = arith.muli %add3A, %mul3A_3 : i32
    "tpu.region"() ({
      %run_scoped3A = tpu.sem_alloc : memref<!tpu.dma_semaphore, #tpu.memory_space<semaphore_mem>>
      %dma_start3A_15 = tpu.memref_slice %arg3[%mul3A_2] : memref<1024xi32, #tpu.memory_space<hbm>> -> memref<32xi32, #tpu.memory_space<hbm>>
      %dma_start3A_16 = tpu.memref_slice %arg3[%mul3A_2] : memref<1024xi32, #tpu.memory_space<hbm>> -> memref<32xi32, #tpu.memory_space<hbm>>
      tpu.enqueue_dma source(%dma_start3A_16 : memref<32xi32, #tpu.memory_space<hbm>>) target(%arg7 : memref<32xi32, #tpu.memory_space<vmem>>) target_semaphore(%run_scoped3A : memref<!tpu.dma_semaphore, #tpu.memory_space<semaphore_mem>>)
      %dma_wait3A_17 = tpu.memref_slice %arg3[%mul3A_2] : memref<1024xi32, #tpu.memory_space<hbm>> -> memref<32xi32, #tpu.memory_space<hbm>>
      %dma_wait3A_18 = tpu.memref_slice %arg3[%mul3A_2] : memref<1024xi32, #tpu.memory_space<hbm>> -> memref<32xi32, #tpu.memory_space<hbm>>
      tpu.wait_dma2 semaphore(%run_scoped3A : memref<!tpu.dma_semaphore, #tpu.memory_space<semaphore_mem>>) src(%dma_wait3A_18 : memref<32xi32, #tpu.memory_space<hbm>>) dst(%arg7 : memref<32xi32, #tpu.memory_space<vmem>>)
      tpu.yield
    }) : () -> ()
    "tpu.region"() ({
      %run_scoped3A = tpu.sem_alloc : memref<!tpu.dma_semaphore, #tpu.memory_space<semaphore_mem>>
      %dma_start3A_15 = tpu.memref_slice %arg4[%mul3A_4] : memref<4096xi32, #tpu.memory_space<hbm>> -> memref<128xi32, #tpu.memory_space<hbm>>
      %dma_start3A_16 = tpu.memref_slice %arg4[%mul3A_4] : memref<4096xi32, #tpu.memory_space<hbm>> -> memref<128xi32, #tpu.memory_space<hbm>>
      tpu.enqueue_dma source(%dma_start3A_16 : memref<128xi32, #tpu.memory_space<hbm>>) target(%arg8 : memref<128xi32, #tpu.memory_space<vmem>>) target_semaphore(%run_scoped3A : memref<!tpu.dma_semaphore, #tpu.memory_space<semaphore_mem>>)
      %dma_wait3A_17 = tpu.memref_slice %arg4[%mul3A_4] : memref<4096xi32, #tpu.memory_space<hbm>> -> memref<128xi32, #tpu.memory_space<hbm>>
      %dma_wait3A_18 = tpu.memref_slice %arg4[%mul3A_4] : memref<4096xi32, #tpu.memory_space<hbm>> -> memref<128xi32, #tpu.memory_space<hbm>>
      tpu.wait_dma2 semaphore(%run_scoped3A : memref<!tpu.dma_semaphore, #tpu.memory_space<semaphore_mem>>) src(%dma_wait3A_18 : memref<128xi32, #tpu.memory_space<hbm>>) dst(%arg8 : memref<128xi32, #tpu.memory_space<vmem>>)
      tpu.yield
    }) : () -> ()
    %dma_start3A = arith.constant 0 : i32
    %dma_start3A_5 = arith.constant 0 : i32
    %dma_start3A_6 = tpu.memref_slice %arg2[%dma_start3A, %dma_start3A_5] : memref<50000x128xf32, #tpu.memory_space<hbm>> -> memref<50000x128xf32, #tpu.memory_space<hbm>>
    tpu.enqueue_indirect_dma source(%dma_start3A_6 : memref<50000x128xf32, #tpu.memory_space<hbm>>) target(%arg9 : memref<32x128xf32, #tpu.memory_space<vmem>>) offsets(%arg7 : memref<32xi32, #tpu.memory_space<vmem>>) semaphore(%arg11 : memref<!tpu.dma_semaphore, #tpu.memory_space<semaphore_mem>>)
    %dma_start3A_7 = arith.constant 0 : i32
    %dma_start3A_8 = arith.constant 0 : i32
    %dma_start3A_9 = tpu.memref_slice %arg2[%dma_start3A_7, %dma_start3A_8] : memref<50000x128xf32, #tpu.memory_space<hbm>> -> memref<50000x128xf32, #tpu.memory_space<hbm>>
    tpu.enqueue_indirect_dma source(%dma_start3A_9 : memref<50000x128xf32, #tpu.memory_space<hbm>>) target(%arg10 : memref<128x128xf32, #tpu.memory_space<vmem>>) offsets(%arg8 : memref<128xi32, #tpu.memory_space<vmem>>) semaphore(%arg11 : memref<!tpu.dma_semaphore, #tpu.memory_space<semaphore_mem>>)
    %dma_wait3A = arith.constant 0 : i32
    %dma_wait3A_10 = arith.constant 0 : i32
    %dma_wait3A_11 = tpu.memref_slice %arg2[%dma_wait3A, %dma_wait3A_10] : memref<50000x128xf32, #tpu.memory_space<hbm>> -> memref<50000x128xf32, #tpu.memory_space<hbm>>
    tpu.wait_indirect_dma semaphore(%arg11 : memref<!tpu.dma_semaphore, #tpu.memory_space<semaphore_mem>>) src(%dma_wait3A_11 : memref<50000x128xf32, #tpu.memory_space<hbm>>) dst(%arg9 : memref<32x128xf32, #tpu.memory_space<vmem>>)
    %dma_wait3A_12 = arith.constant 0 : i32
    %dma_wait3A_13 = arith.constant 0 : i32
    %dma_wait3A_14 = tpu.memref_slice %arg2[%dma_wait3A_12, %dma_wait3A_13] : memref<50000x128xf32, #tpu.memory_space<hbm>> -> memref<50000x128xf32, #tpu.memory_space<hbm>>
    tpu.wait_indirect_dma semaphore(%arg11 : memref<!tpu.dma_semaphore, #tpu.memory_space<semaphore_mem>>) src(%dma_wait3A_14 : memref<50000x128xf32, #tpu.memory_space<hbm>>) dst(%arg10 : memref<128x128xf32, #tpu.memory_space<vmem>>)
    "tpu.region"() ({
      %run_scoped3A = tpu.sem_alloc : memref<!tpu.dma_semaphore, #tpu.memory_space<semaphore_mem>>
      %dma_start3A_15 = arith.constant 0 : i32
      %dma_start3A_16 = tpu.memref_slice %arg5[%mul3A_2, %dma_start3A_15] : memref<1024x128xf32, #tpu.memory_space<hbm>> -> memref<32x128xf32, #tpu.memory_space<hbm>>
      %dma_start3A_17 = arith.constant 0 : i32
      %dma_start3A_18 = tpu.memref_slice %arg5[%mul3A_2, %dma_start3A_17] : memref<1024x128xf32, #tpu.memory_space<hbm>> -> memref<32x128xf32, #tpu.memory_space<hbm>>
      tpu.enqueue_dma source(%arg9 : memref<32x128xf32, #tpu.memory_space<vmem>>) target(%dma_start3A_18 : memref<32x128xf32, #tpu.memory_space<hbm>>) target_semaphore(%run_scoped3A : memref<!tpu.dma_semaphore, #tpu.memory_space<semaphore_mem>>)
      %dma_wait3A_19 = arith.constant 0 : i32
      %dma_wait3A_20 = tpu.memref_slice %arg5[%mul3A_2, %dma_wait3A_19] : memref<1024x128xf32, #tpu.memory_space<hbm>> -> memref<32x128xf32, #tpu.memory_space<hbm>>
      %dma_wait3A_21 = arith.constant 0 : i32
      %dma_wait3A_22 = tpu.memref_slice %arg5[%mul3A_2, %dma_wait3A_21] : memref<1024x128xf32, #tpu.memory_space<hbm>> -> memref<32x128xf32, #tpu.memory_space<hbm>>
      tpu.wait_dma2 semaphore(%run_scoped3A : memref<!tpu.dma_semaphore, #tpu.memory_space<semaphore_mem>>) src(%arg9 : memref<32x128xf32, #tpu.memory_space<vmem>>) dst(%dma_wait3A_22 : memref<32x128xf32, #tpu.memory_space<hbm>>)
      tpu.yield
    }) : () -> ()
    "tpu.region"() ({
      %run_scoped3A = tpu.sem_alloc : memref<!tpu.dma_semaphore, #tpu.memory_space<semaphore_mem>>
      %dma_start3A_15 = arith.constant 0 : i32
      %dma_start3A_16 = tpu.memref_slice %arg6[%mul3A_4, %dma_start3A_15] : memref<4096x128xf32, #tpu.memory_space<hbm>> -> memref<128x128xf32, #tpu.memory_space<hbm>>
      %dma_start3A_17 = arith.constant 0 : i32
      %dma_start3A_18 = tpu.memref_slice %arg6[%mul3A_4, %dma_start3A_17] : memref<4096x128xf32, #tpu.memory_space<hbm>> -> memref<128x128xf32, #tpu.memory_space<hbm>>
      tpu.enqueue_dma source(%arg10 : memref<128x128xf32, #tpu.memory_space<vmem>>) target(%dma_start3A_18 : memref<128x128xf32, #tpu.memory_space<hbm>>) target_semaphore(%run_scoped3A : memref<!tpu.dma_semaphore, #tpu.memory_space<semaphore_mem>>)
      %dma_wait3A_19 = arith.constant 0 : i32
      %dma_wait3A_20 = tpu.memref_slice %arg6[%mul3A_4, %dma_wait3A_19] : memref<4096x128xf32, #tpu.memory_space<hbm>> -> memref<128x128xf32, #tpu.memory_space<hbm>>
      %dma_wait3A_21 = arith.constant 0 : i32
      %dma_wait3A_22 = tpu.memref_slice %arg6[%mul3A_4, %dma_wait3A_21] : memref<4096x128xf32, #tpu.memory_space<hbm>> -> memref<128x128xf32, #tpu.memory_space<hbm>>
      tpu.wait_dma2 semaphore(%run_scoped3A : memref<!tpu.dma_semaphore, #tpu.memory_space<semaphore_mem>>) src(%arg10 : memref<128x128xf32, #tpu.memory_space<vmem>>) dst(%dma_wait3A_22 : memref<128x128xf32, #tpu.memory_space<hbm>>)
      tpu.yield
    }) : () -> ()
    return
  }
}

module attributes {stable_mosaic.version = 14 : i64} {
  func.func @_loss_body(%arg0: i32, %arg1: memref<1024x64xf32, #tpu.memory_space<vmem>>, %arg2: memref<1024x128xf32, #tpu.memory_space<vmem>>, %arg3: memref<1024x128xf32, #tpu.memory_space<vmem>>, %arg4: memref<1024x1xi32, #tpu.memory_space<vmem>>, %arg5: memref<1x1024xi32, #tpu.memory_space<vmem>>, %arg6: memref<1024x1xi32, #tpu.memory_space<vmem>>, %arg7: memref<1x1024xf32, #tpu.memory_space<vmem>>, %arg8: memref<1024x1xf32, #tpu.memory_space<vmem>>) attributes {dimension_semantics = [#tpu.dimension_semantics<arbitrary>], iteration_bounds = array<i64: 4>, scalar_prefetch = 0 : i64, scratch_operands = 0 : i64, tpu.core_type = #tpu.core_type<tc>, window_params = [{transform_indices = @transform_0, window_bounds = array<i64: 1024, 64>}, {transform_indices = @transform_1, window_bounds = array<i64: 1024, 128>}, {pipeline_mode = #tpu.pipeline_mode<synchronous>, transform_indices = @transform_2, window_bounds = array<i64: 1024, 128>}, {transform_indices = @transform_3, window_bounds = array<i64: 1024, 1>}, {pipeline_mode = #tpu.pipeline_mode<synchronous>, transform_indices = @transform_4, window_bounds = array<i64: 1, 1024>}, {pipeline_mode = #tpu.pipeline_mode<synchronous>, transform_indices = @transform_5, window_bounds = array<i64: 1024, 1>}, {pipeline_mode = #tpu.pipeline_mode<synchronous>, transform_indices = @transform_6, window_bounds = array<i64: 1, 1024>}, {transform_indices = @transform_7, window_bounds = array<i64: 1024, 1>}]} {
    %get3A = arith.constant 0 : index
    %get3A_0 = arith.constant 0 : index
    %get3A_1 = vector.load %arg1[%get3A, %get3A_0] : memref<1024x64xf32, #tpu.memory_space<vmem>>, vector<1024x64xf32>
    %get3A_2 = arith.constant 0 : index
    %get3A_3 = arith.constant 0 : index
    %get3A_4 = vector.load %arg2[%get3A_2, %get3A_3] : memref<1024x128xf32, #tpu.memory_space<vmem>>, vector<1024x128xf32>
    %get3A_5 = arith.constant 0 : index
    %get3A_6 = arith.constant 0 : index
    %get3A_7 = vector.load %arg3[%get3A_5, %get3A_6] : memref<1024x128xf32, #tpu.memory_space<vmem>>, vector<1024x128xf32>
    %get3A_8 = arith.constant 0 : index
    %get3A_9 = arith.constant 0 : index
    %get3A_10 = vector.load %arg4[%get3A_8, %get3A_9] : memref<1024x1xi32, #tpu.memory_space<vmem>>, vector<1024x1xi32>
    %get3A_11 = arith.constant 0 : index
    %get3A_12 = arith.constant 0 : index
    %get3A_13 = vector.load %arg5[%get3A_11, %get3A_12] : memref<1x1024xi32, #tpu.memory_space<vmem>>, vector<1x1024xi32>
    %get3A_14 = arith.constant 0 : index
    %get3A_15 = arith.constant 0 : index
    %get3A_16 = vector.load %arg6[%get3A_14, %get3A_15] : memref<1024x1xi32, #tpu.memory_space<vmem>>, vector<1024x1xi32>
    %get3A_17 = arith.constant 0 : index
    %get3A_18 = arith.constant 0 : index
    %get3A_19 = vector.load %arg7[%get3A_17, %get3A_18] : memref<1x1024xf32, #tpu.memory_space<vmem>>, vector<1x1024xf32>
    %and3A = arith.constant 1 : i32
    %and3A_20 = vector.broadcast %and3A : i32 to vector<1024x1xi32>
    %and3A_21 = arith.andi %get3A_10, %and3A_20 : vector<1024x1xi32>
    %eq3A = arith.constant 1 : i32
    %eq3A_22 = vector.broadcast %eq3A : i32 to vector<1024x1xi32>
    %eq3A_23 = arith.cmpi eq, %and3A_21, %eq3A_22 : vector<1024x1xi32>
    %slice3A = vector.extract_strided_slice %get3A_4 {offsets = [0, 64], sizes = [1024, 64], strides = [1, 1]} : vector<1024x128xf32> to vector<1024x64xf32>
    %slice3A_24 = vector.extract_strided_slice %get3A_4 {offsets = [0, 0], sizes = [1024, 64], strides = [1, 1]} : vector<1024x128xf32> to vector<1024x64xf32>
    %broadcast_in_dim3A = vector.shape_cast %eq3A_23 : vector<1024x1xi1> to vector<1024x1xi1>
    %broadcast_in_dim3A_25 = vector.broadcast %broadcast_in_dim3A : vector<1024x1xi1> to vector<1024x64xi1>
    %select_n3A = arith.select %broadcast_in_dim3A_25, %slice3A, %slice3A_24 : vector<1024x64xi1>, vector<1024x64xf32>
    %and3A_26 = arith.constant 1 : i32
    %and3A_27 = vector.broadcast %and3A_26 : i32 to vector<1024x1xi32>
    %and3A_28 = arith.andi %get3A_16, %and3A_27 : vector<1024x1xi32>
    %eq3A_29 = arith.constant 1 : i32
    %eq3A_30 = vector.broadcast %eq3A_29 : i32 to vector<1024x1xi32>
    %eq3A_31 = arith.cmpi eq, %and3A_28, %eq3A_30 : vector<1024x1xi32>
    %slice3A_32 = vector.extract_strided_slice %get3A_7 {offsets = [0, 64], sizes = [1024, 64], strides = [1, 1]} : vector<1024x128xf32> to vector<1024x64xf32>
    %slice3A_33 = vector.extract_strided_slice %get3A_7 {offsets = [0, 0], sizes = [1024, 64], strides = [1, 1]} : vector<1024x128xf32> to vector<1024x64xf32>
    %broadcast_in_dim3A_34 = vector.shape_cast %eq3A_31 : vector<1024x1xi1> to vector<1024x1xi1>
    %broadcast_in_dim3A_35 = vector.broadcast %broadcast_in_dim3A_34 : vector<1024x1xi1> to vector<1024x64xi1>
    %select_n3A_36 = arith.select %broadcast_in_dim3A_35, %slice3A_32, %slice3A_33 : vector<1024x64xi1>, vector<1024x64xf32>
    %dot_general3A = arith.constant dense<0.000000e+00> : vector<1024x1024xf32>
    %dot_general3A_37 = tpu.matmul %get3A_1, %select_n3A_36, %dot_general3A {dimension_numbers = #tpu.dot_dimension_numbers<[1], [1], [0], [0], [0, 0, 1, 0], [], []>, precision = #tpu.contract_precision<fp32>, transpose_lhs_hint = false} : vector<1024x64xf32>, vector<1024x64xf32>, vector<1024x1024xf32> -> vector<1024x1024xf32>
    %sub3A = vector.broadcast %get3A_19 : vector<1x1024xf32> to vector<1024x1024xf32>
    %sub3A_38 = arith.subf %dot_general3A_37, %sub3A : vector<1024x1024xf32>
    %eq3A_39 = vector.broadcast %get3A_10 : vector<1024x1xi32> to vector<1024x1024xi32>
    %eq3A_40 = vector.broadcast %get3A_13 : vector<1x1024xi32> to vector<1024x1024xi32>
    %eq3A_41 = arith.cmpi eq, %eq3A_39, %eq3A_40 : vector<1024x1024xi32>
    %sub3A_42 = arith.constant 1.000000e+09 : f32
    %sub3A_43 = vector.broadcast %sub3A_42 : f32 to vector<1024x1024xf32>
    %sub3A_44 = arith.subf %sub3A_38, %sub3A_43 : vector<1024x1024xf32>
    %select_n3A_45 = arith.select %eq3A_41, %sub3A_44, %sub3A_38 : vector<1024x1024xi1>, vector<1024x1024xf32>
    %convert_element_type3A = arith.sitofp %get3A_10 : vector<1024x1xi32> to vector<1024x1xf32>
    %add3A = arith.constant 2.000000e+00 : f32
    %add3A_46 = vector.broadcast %add3A : f32 to vector<1024x1xf32>
    %add3A_47 = arith.addf %convert_element_type3A, %add3A_46 : vector<1024x1xf32>
    %log3A = math.log %add3A_47 : vector<1024x1xf32>
    %add3A_48 = arith.constant 1.000000e+00 : f32
    %add3A_49 = vector.broadcast %add3A_48 : f32 to vector<1024x1xf32>
    %add3A_50 = arith.addf %convert_element_type3A, %add3A_49 : vector<1024x1xf32>
    %log3A_51 = math.log %add3A_50 : vector<1024x1xf32>
    %sub3A_52 = arith.subf %log3A, %log3A_51 : vector<1024x1xf32>
    %mul3A = arith.constant 0.0868588239 : f32
    %mul3A_53 = vector.broadcast %mul3A : f32 to vector<1024x1xf32>
    %mul3A_54 = arith.mulf %sub3A_52, %mul3A_53 : vector<1024x1xf32>
    %mul3A_55 = arith.mulf %get3A_1, %select_n3A : vector<1024x64xf32>
    %reduce_sum3A = arith.constant dense<0.000000e+00> : vector<1024xf32>
    %reduce_sum3A_56 = vector.multi_reduction <add>, %mul3A_55, %reduce_sum3A [1] : vector<1024x64xf32> to vector<1024xf32>
    %broadcast_in_dim3A_57 = vector.shape_cast %reduce_sum3A_56 : vector<1024xf32> to vector<1024x1xf32>
    %mul3A_58 = arith.constant 1.000000e+03 : f32
    %mul3A_59 = vector.broadcast %mul3A_58 : f32 to vector<1024x1xf32>
    %mul3A_60 = arith.mulf %mul3A_54, %mul3A_59 : vector<1024x1xf32>
    %log3A_61 = math.log %mul3A_60 : vector<1024x1xf32>
    %sub3A_62 = arith.subf %broadcast_in_dim3A_57, %log3A_61 : vector<1024x1xf32>
    %reduce_max3A = arith.constant dense<0xFF800000> : vector<1024xf32>
    %reduce_max3A_63 = vector.multi_reduction <maximumf>, %select_n3A_45, %reduce_max3A [1] : vector<1024x1024xf32> to vector<1024xf32>
    %broadcast_in_dim3A_64 = vector.shape_cast %reduce_max3A_63 : vector<1024xf32> to vector<1024x1xf32>
    %max3A = arith.maximumf %broadcast_in_dim3A_64, %sub3A_62 : vector<1024x1xf32>
    %sub3A_65 = vector.broadcast %max3A : vector<1024x1xf32> to vector<1024x1024xf32>
    %sub3A_66 = arith.subf %select_n3A_45, %sub3A_65 : vector<1024x1024xf32>
    %exp3A = math.exp %sub3A_66 : vector<1024x1024xf32>
    %reduce_sum3A_67 = arith.constant dense<0.000000e+00> : vector<1024xf32>
    %reduce_sum3A_68 = vector.multi_reduction <add>, %exp3A, %reduce_sum3A_67 [1] : vector<1024x1024xf32> to vector<1024xf32>
    %broadcast_in_dim3A_69 = vector.shape_cast %reduce_sum3A_68 : vector<1024xf32> to vector<1024x1xf32>
    %sub3A_70 = arith.subf %sub3A_62, %max3A : vector<1024x1xf32>
    %exp3A_71 = math.exp %sub3A_70 : vector<1024x1xf32>
    %add3A_72 = arith.addf %broadcast_in_dim3A_69, %exp3A_71 : vector<1024x1xf32>
    %log3A_73 = math.log %add3A_72 : vector<1024x1xf32>
    %add3A_74 = arith.addf %log3A_73, %max3A : vector<1024x1xf32>
    %sub3A_75 = arith.subf %add3A_74, %sub3A_62 : vector<1024x1xf32>
    %swap3A = arith.constant 0 : index
    %swap3A_76 = arith.constant 0 : index
    %swap3A_77 = vector.load %arg8[%swap3A, %swap3A_76] : memref<1024x1xf32, #tpu.memory_space<vmem>>, vector<1024x1xf32>
    tpu.vector_store %arg8[%swap3A, %swap3A_76], %sub3A_75 {strides = array<i32>} : memref<1024x1xf32, #tpu.memory_space<vmem>>, vector<1024x1xf32>,
    return
  }
  func.func @transform_0(%arg0: i32) -> (i32, i32) {
    %c0_i32 = arith.constant 0 : i32
    %c0_i32_0 = arith.constant 0 : i32
    return %arg0, %c0_i32 : i32, i32
  }
  func.func @transform_1(%arg0: i32) -> (i32, i32) {
    %c0_i32 = arith.constant 0 : i32
    %c0_i32_0 = arith.constant 0 : i32
    return %arg0, %c0_i32 : i32, i32
  }
  func.func @transform_2(%arg0: i32) -> (i32, i32) {
    %c0_i32 = arith.constant 0 : i32
    %c0_i32_0 = arith.constant 0 : i32
    %c0_i32_1 = arith.constant 0 : i32
    return %c0_i32, %c0_i32_0 : i32, i32
  }
  func.func @transform_3(%arg0: i32) -> (i32, i32) {
    %c0_i32 = arith.constant 0 : i32
    %c0_i32_0 = arith.constant 0 : i32
    return %arg0, %c0_i32 : i32, i32
  }
  func.func @transform_4(%arg0: i32) -> (i32, i32) {
    %c0_i32 = arith.constant 0 : i32
    %c0_i32_0 = arith.constant 0 : i32
    %c0_i32_1 = arith.constant 0 : i32
    return %c0_i32, %c0_i32_0 : i32, i32
  }
  func.func @transform_5(%arg0: i32) -> (i32, i32) {
    %c0_i32 = arith.constant 0 : i32
    %c0_i32_0 = arith.constant 0 : i32
    %c0_i32_1 = arith.constant 0 : i32
    return %c0_i32, %c0_i32_0 : i32, i32
  }
  func.func @transform_6(%arg0: i32) -> (i32, i32) {
    %c0_i32 = arith.constant 0 : i32
    %c0_i32_0 = arith.constant 0 : i32
    %c0_i32_1 = arith.constant 0 : i32
    return %c0_i32, %c0_i32_0 : i32, i32
  }
  func.func @transform_7(%arg0: i32) -> (i32, i32) {
    %c0_i32 = arith.constant 0 : i32
    %c0_i32_0 = arith.constant 0 : i32
    return %arg0, %c0_i32 : i32, i32
  }
}

</mosaic_0001>

<sc_bundles>
// kernel: kernel.4.cloned.1.call-start
scs
__scs_entry_jumppad:
0x0: {  	(pc) =	sbr.rel $0x88, $3  }
0x1: {  	(tag) =	ssettag $0x0;
	lr =	simm.s32 $0x1  }
0x2: {  	[smem:$0x3F9E] =	sst lr;
	_ =	strace $0xD0000000  }
0x3: {  	_ = 	snop  }
0x4: {  	_ = 	snop  }
0x5: {  	_ = 	snop  }
0x6: {  	_ = 	snop  }
0x7: {  	_ = 	snop  }
__scs_overlays_trampoline_lowered:
0x8: {  	[smem:$0x3FAD] =	sst s0  }
0x9: {  	[smem:$0x3FAE] =	sst s1  }
0xa: {  	[smem:$0x3FAF] =	sst s2  }
0xb: {  	[smem:$0x3FB0] =	sst s3  }
0xc: {  	[smem:$0x3FB1] =	sst s4  }
0xd: {  	[smem:$0x3FB2] =	sst s5  }
0xe: {  	[smem:$0x3FB3] =	sst s6  }
0xf: {  	[smem:$0x3FB4] =	sst s7  }
0x10: {  	[smem:$0x3FB5] =	sst s8  }
0x11: {  	[smem:$0x3FB6] =	sst s9;
	s0 =	simm.s32 @!p0 $0x0  }
0x12: {  	s1 =	sld [smem:$0x3F9C];
	s0 =	simm.s32 @p0 $0x1  }
0x13: {  	[smem:$0x3FB7] =	sst s0;
	s0 =	simm.s32 @!p1 $0x0  }
0x14: {  	s2 =	sld [smem:$0x3F9B];
	s0 =	simm.s32 @p1 $0x1  }
0x15: {  	[smem:$0x3FB8] =	sst s0;
	s0 =	simm.s32 @!p2 $0x0  }
0x16: {  	s3 =	sld [smem:$0x3FDB];
	s0 =	simm.s32 @p2 $0x1  }
0x17: {  	s4 =	simm.s32 $0x1BF5;
	[smem:$0x3FBA] =	sst s0  }
0x18: {  	s0 =	sld [smem:$0x3F9D];
	_ =	swait.ge [sflag:s4], $0x0  }
0x19: {  	s7 =	sld [smem:$0x3F9E]  }
0x1a: {  	s8 =	sadd.s32 $0xFFFFE003, lr  }
0x1b: {  	s9 =	sadd.s32 $0xFFFFFEF7, lr;
	s5 =	simm.s32 $0xFFFFFFFF;
	p2 =	slt.u32 s8, $0xFFFFF086  }
0x1c: {  	p1 =	slt.u32 s9, $0xF7A;
	s5 =	simm.s32 @!p2 $0x0  }
0x1d: {  	s5 =	simm.s32 @p1 $0x1;
	p0 =	seq.s32 s7, s2  }
0x1e: {  	s7 =	smul.u32 @!p0 $0xF7A, s2;
	p2 =	seq.s32 @!p0 s5, $0x0  }
0x1f: {  	s9 =	smul.u32 $0xF7A, s1;
	s8 =	simm.s32 @!p0 $0x1BF5;
	p2 =	por !p2, p0  }
0x20: {  	[sflag:s8] =	ssyncset.s32 @!p0 $0xFFFFF086;
	s6 =	sadd.s32 @!p0 s3, s7;
	s7 =	simm.s32 @!p0 $0x108  }
0x21: {  	s3 =	sadd.s32 s3, s9;
	s6 =	sadd.s32 @!p0 $0x88, s6;
	s7 =	simm.s32 @p2 $0x1082  }
0x22: {  	[simem:s7], [sflag:s8] =	dma.local @!p0 [hbm:s6], $0xF7A  }
0x23: {  	s9 =	sor.u32 $0xD0000000, s2;
	s6 =	simm.s32 $0x108;
	_ =	swait.ge @!p0 [sflag:s8], $0x0  }
0x24: {  	s3 =	sadd.s32 $0x88, s3;
	s6 =	simm.s32 @!p1 $0x1082;
	[sflag:s4] =	ssyncset.s32 $0xFFFFF086  }
0x25: {  	[simem:s6], [sflag:s4] =	dma.local [hbm:s3], $0xF7A  }
0x26: {  	[smem:$0x3F9E] =	sst s1;
	(tag) =	ssettag s2;
	_ =	strace s9  }
0x27: {  	s1 =	sld [smem:$0x3FAE]  }
0x28: {  	s2 =	sld [smem:$0x3FAF]  }
0x29: {  	s4 =	sld [smem:$0x3FB1]  }
0x2a: {  	p0 =	seq.s32 s5, $0x0;
	s5 =	sld [smem:$0x3FB2]  }
0x2b: {  	s6 =	sld [smem:$0x3FB3]  }
0x2c: {  	s7 =	sld [smem:$0x3FB4]  }
0x2d: {  	s3 =	simm.s32 $0x108;
	s8 =	sld [smem:$0x3FB5]  }
0x2e: {  	s3 =	simm.s32 @!p0 $0x1082;
	s9 =	sld [smem:$0x3FB6]  }
0x2f: {  	lr =	sadd.s32 s0, s3;
	s0 =	sld [smem:$0x3FAD]  }
0x30: {  	s3 =	sld [smem:$0x3FB0]  }
0x31: {  	[smem:$0x3FB9] =	sst s10  }
0x32: {  	s10 =	sld [smem:$0x3FB7];
	_ =	sdelay $0x3  }
0x33: {  	p0 =	seq.s32 s10, $0x1;
	s10 =	sld [smem:$0x3FB9];
	_ =	sdelay $0x3  }
0x34: {  	[smem:$0x3FB9] =	sst s10  }
0x35: {  	s10 =	sld [smem:$0x3FB8];
	_ =	sdelay $0x3  }
0x36: {  	p1 =	seq.s32 s10, $0x1;
	s10 =	sld [smem:$0x3FB9];
	_ =	sdelay $0x3  }
0x37: {  	[smem:$0x3FB9] =	sst s10  }
0x38: {  	s10 =	sld [smem:$0x3FBA]  }
0x39: {  	_ = 	snop;
	(pc) =	sbr.ind lr, $3  }
0x3a: {  	_ = 	snop  }
0x3b: {  	_ = 	snop  }
0x3c: {  	p2 =	seq.s32 s10, $0x1;
	s10 =	sld [smem:$0x3FB9]  }
0x3d: {  	_ =	shalt  }
0x3e: {  	_ =	shalt  }
0x3f: {  	_ =	shalt  }
0x40: {  	_ =	shalt  }
0x41: {  	_ =	shalt  }
0x42: {  	_ =	shalt  }
0x43: {  	_ =	shalt  }
0x44: {  	_ =	shalt  }
0x45: {  	_ =	shalt  }
0x46: {  	_ =	shalt  }
0x47: {  	_ =	shalt  }
0x48: {  	_ =	shalt  }
0x49: {  	_ =	shalt  }
0x4a: {  	_ =	shalt  }
0x4b: {  	_ =	shalt  }
0x4c: {  	_ =	shalt  }
0x4d: {  	_ =	shalt  }
0x4e: {  	_ =	shalt  }
0x4f: {  	_ =	shalt  }
0x50: {  	_ =	shalt  }
0x51: {  	_ =	shalt  }
0x52: {  	_ =	shalt  }
0x53: {  	_ =	shalt  }
0x54: {  	_ =	shalt  }
0x55: {  	_ =	shalt  }
0x56: {  	_ =	shalt  }
0x57: {  	_ =	shalt  }
0x58: {  	_ =	shalt  }
0x59: {  	_ =	shalt  }
0x5a: {  	_ =	shalt  }
0x5b: {  	_ =	shalt  }
0x5c: {  	_ =	shalt  }
0x5d: {  	_ =	shalt  }
0x5e: {  	_ =	shalt  }
0x5f: {  	_ =	shalt  }
0x60: {  	_ =	shalt  }
0x61: {  	_ =	shalt  }
0x62: {  	_ =	shalt  }
0x63: {  	_ =	shalt  }
0x64: {  	_ =	shalt  }
0x65: {  	_ =	shalt  }
0x66: {  	_ =	shalt  }
0x67: {  	_ =	shalt  }
0x68: {  	_ =	shalt  }
0x69: {  	_ =	shalt  }
0x6a: {  	_ =	shalt  }
0x6b: {  	_ =	shalt  }
0x6c: {  	_ =	shalt  }
0x6d: {  	_ =	shalt  }
0x6e: {  	_ =	shalt  }
0x6f: {  	_ =	shalt  }
0x70: {  	_ =	shalt  }
0x71: {  	_ =	shalt  }
0x72: {  	_ =	shalt  }
0x73: {  	_ =	shalt  }
0x74: {  	_ =	shalt  }
0x75: {  	_ =	shalt  }
0x76: {  	_ =	shalt  }
0x77: {  	_ =	shalt  }
0x78: {  	_ =	shalt  }
0x79: {  	_ =	shalt  }
0x7a: {  	_ =	shalt  }
0x7b: {  	_ =	shalt  }
0x7c: {  	_ =	shalt  }
0x7d: {  	_ =	shalt  }
0x7e: {  	_ =	shalt  }
0x7f: {  	_ =	shalt  }
0x80: {  	_ =	shalt  }
0x81: {  	_ =	shalt  }
0x82: {  	_ =	shalt  }
0x83: {  	_ =	shalt  }
0x84: {  	_ =	shalt  }
0x85: {  	_ =	shalt  }
0x86: {  	_ =	shalt  }
0x87: {  	_ =	shalt  }
.Lfunc_end0:
.L_simem_size_0:
called_computation_lowered:
.L_overlay_start_0:
0x88: {  	s2 =	sld [smem:$0x3FD9]  }
0x89: {  	s3 =	sld [smem:$0x3FFE];
	_ =	sdelay $0x1  }
0x8a: {  	s1 =	srdreg.scid  }
0x8b: {  	s0 =	sand.u32 $0x1, s1  }
0x8c: {  	s17 =	sshll.u32 s0, $0xA;
	s2 =	sadd.s32 s3, s2  }
0x8d: {  	s2 =	sadd.s32 s2, s17  }
0x8e: {  	[smem:$0x3FC5] =	sst s2  }
0x8f: {  	_ = 	snop  }
0x90: {  	s2 =	sld [smem:$0x3FD0];
	(tm) =	ssettm $0x1  }
0x91: {  	s18 =	sld [smem:$0x3FFB];
	_ =	sdelay $0x3  }
0x92: {  	_ =	strace s18  }
0x93: {  	s3 =	sld [smem:$0x3FFC];
	_ =	sdelay $0x3  }
0x94: {  	_ =	strace s3  }
0x95: {  	s3 =	sld [smem:$0x3FFD];
	_ =	sdelay $0x3  }
0x96: {  	_ =	strace s3  }
0x97: {  	_ =	strace $0x8FFFFFFF  }
0x98: {  	s19 =	sld [smem:$0x3FDB];
	_ =	sdelay $0x1  }
0x99: {  	s4 =	simm.s32 $_scs_section_size  }
0x9a: {  	s5 =	simm.s32 $_size__tile_overlayer_lowered;
	s6 =	simm.s32 $_tile_overlayer_lowered  }
0x9b: {  	s22 =	simm.s32 $0x1BFF;
	s21 =	sshll.u32 s6, $0x1;
	s3 =	sadd.s32 s4, s19  }
0x9c: {  	s7 =	simm.s32 $0x0;
	s20 =	sshll.u32 s5, $0x1;
	s5 =	sadd.s32 s21, s3  }
0x9d: {  	[timem:s7], [sflag:s22] =	dma.local [hbm:s5], s20  }
0x9e: {  	_ =	swait.ge [sflag:s22], s20  }
0x9f: {  	s4 =	ssub.s32 $0x0, s20;
	[sflag:s22] =	ssyncset.done $0x0  }
0xa0: {  	[sflag:s22] =	ssyncadd.s32 s4;
	_ =	sdelay $0x1  }
0xa1: {  	s23 =	simm.s32 $0x1B8B  }
0xa2: {  	_ =	swait.ge [sflag:s23], $0x1  }
0xa3: {  	[sflag:s23] =	ssyncset.done $0x0  }
0xa4: {  	s25 =	simm.s32 $0x1B8E;
	s24 =	sld [smem:$0x3FFE];
	[sflag:s23] =	ssyncadd.s32 $0xFFFFFFFF  }
0xa5: {  	s26 =	simm.s32 $execute0_lowered;
	[smem:$0x3FD2] =	sst s25  }
0xa6: {  	s5 =	sshll.u32 s26, $0x1;
	_ =	strace $0x80000046;
	[dreg:$0x1] =	wrdreg $0xFFFFFFFF  }
0xa7: {  	s28 =	simm.s32 $_size_execute0_lowered;
	s3 =	sadd.s32 s3, s5;
	[dreg:$0x0] =	wrdreg $0x0  }
0xa8: {  	s5 =	sshll.u32 s28, $0x1;
	[dreg:$0x2] =	wrdreg s3  }
0xa9: {  	[dreg:$0x3] =	wrdreg s5  }
0xaa: {  	[dreg:$0x4] =	wrdreg $0xC0  }
0xab: {  	_ =	task [dreg:s7], $0x5FFFF  }
0xac: {  	[dreg:$0x1] =	wrdreg $0xFFFFFFFF  }
0xad: {  	[dreg:$0x0] =	wrdreg $0x60  }
0xae: {  	[dreg:$0x2] =	wrdreg s24  }
0xaf: {  	[dreg:$0x3] =	wrdreg s2  }
0xb0: {  	[dreg:$0x4] =	wrdreg $0x9  }
0xb1: {  	_ =	task.clear_ibuf [dreg:s7], $0x5FFFF;
	_ =	strace $0x90000046  }
0xb2: {  	s29 =	simm.s32 $0x9;
	_ =	strace $0x80000048  }
0xb3: {  	_ =	swait.ge [sflag:s29], $0x1  }
0xb4: {  	[sflag:s29] =	ssyncadd.s32 $0xFFFFFFFF  }
0xb5: {  	_ =	strace $0x90000048  }
0xb6: {  	_ =	sfence  }
0xb7: {  	s30 =	sld [smem:$0x0];
	_ =	sdelay $0x2  }
0xb8: {  	s31 =	sshll.u32 s1, $0xD;
	s1 =	sshrl.u32 s1, $0x2  }
0xb9: {  	s3 =	sand.u32 $0x4000, s31;
	s1 =	sadd.s32 s1, s30  }
0xba: {  	s0 =	sor.u32 s3, s0;
	s1 =	sshll.u32 s1, $0x11  }
0xbb: {  	s0 =	sor.u32 s1, s0  }
0xbc: {  	s0 =	sadd.s32 $0x8F2B, s0  }
0xbd: {  	[sflag:s0] =	ssyncadd.remote.s32 $0x1  }
0xbe: {  	_ =	sfence.sel $0xFFFF  }
0xbf: {  	[dreg:$0x0] =	wrdreg $0xFFFFFFFF;
	(pc) =	sbr.abs _section_cstart, $3  }
0xc0: {  	[dreg:$0x1] =	wrdreg $0xFFFFFFFF  }
0xc1: {  	_ =	task.clear_ibuf [dreg:s7], $0x2FFFF;
	_ =	strace $0x9FFFFFFF  }
0xc2: {  	(tm) =	ssettm $0x7FFFFFFF  }
0xc3: {  	_ =	shalt  }
tec
execute0_lowered:
.L_overlay_start_1:
0x0: {  	(tag) =	ssettag $0x1  }
0x1: {  	s1 =	srdreg.scid;
	s0 =	stileid.u32  }
0x2: {  	s13 =	rddreg [dreg:$0x0];
	s12 =	sand.u32 $0x1, s1;
	s29 =	sshll.u32 s0, $0x1  }
0x3: {  	s5 =	rddreg [dreg:$0x1];
	s14 =	sor.u32 s12, s29  }
0x4: {  	s2 =	simm.s32 $0x0;
	s1 =	rddreg [dreg:$0x2];
	s3 =	sshll.u32 s14, $0x2  }
0x5: {  	[smem:$0x7FF] =	sst s2;
	s3 =	sadd.s32 s3, s13  }
0x6: {  	_ =	strace $0x80000047;
	s4 =	sadd.s32 $0x1200, s3;
	s3 =	simm.s32 $0x2  }
0x7: {  	[tilespmem:s2], [sflag:$0x2] =	stream.linear.gather [hbm4b:s4+s2], $0x20, $0x38;
	[tilespmem:$0x5100] =	vst v63  }
0x8: {  	_ =	swait.ge [sflag:s3], $0x20  }
0x9: {  	s6 =	sshll.u32 s14, $0x4;
	[sflag:s3] =	ssyncset.done $0x0  }
0xa: {  	s5 =	sadd.s32 s5, s6;
	s6 =	simm.s32 $0x80;
	[sflag:s3] =	ssyncadd.s32 $0xFFFFFFE0  }
0xb: {  	[tilespmem:s6], [sflag:$0x2] =	stream.linear.gather [hbm4b:s5+s2], $0x80, $0x38;
	[tilespmem:$0x5100] =	vst v63  }
0xc: {  	_ =	swait.ge [sflag:s3], $0x80  }
0xd: {  	s8 =	simm.s32 $0x20;
	[sflag:s3] =	ssyncset.done $0x0  }
0xe: {  	s9 =	simm.s32 $0x100;
	s7 =	sadd.s32 $0x187E00, s13;
	[sflag:s3] =	ssyncadd.s32 $0xFFFFFF80  }
0xf: {  	[tilespmem:s9], [sflag:$0x1] =	stream.indirect.gather [hbm4b:s7+s8], $0x80, s2, s8, $0xb8;
	[tilespmem:$0x5100] =	vst v63  }
0x10: {  	s10 =	simm.s32 $0x1100;
	s11 =	simm.s32 $0x1  }
0x11: {  	[tilespmem:s10], [sflag:$0x1] =	stream.indirect.gather [hbm4b:s7+s6], $0x80, s6, s6, $0xb8;
	[tilespmem:$0x5100] =	vst v63  }
0x12: {  	_ =	swait.ge [sflag:s11], $0x1000  }
0x13: {  	s16 =	ssub.s32 $0x2, s12;
	[sflag:s11] =	ssyncset.done $0x0  }
0x14: {  	s15 =	sshll.u32 s14, $0x9;
	s14 =	sshll.u32 s14, $0xB;
	[sflag:s11] =	ssyncadd.s32 $0xFFFFF000  }
0x15: {  	s30 =	sshrl.u32 s16, $0x1;
	s15 =	sadd.s32 s15, s13;
	_ =	swait.ge [sflag:s11], $0x4000  }
0x16: {  	s13 =	sadd.s32 s14, s13;
	s31 =	ssub.s32 s16, s30;
	[sflag:s11] =	ssyncset.done $0x0  }
0x17: {  	s12 =	sadd.s32 $0x11400, s15;
	s14 =	smax.u32 s31, $0x1;
	[sflag:s11] =	ssyncadd.s32 $0xFFFFC000  }
0x18: {  	[hbm4b:s12+s2] =	stream.linear.scatter [tilespmem:s9], [sflag:$0x2], $0x1000, $0x38;
	[tilespmem:$0x5100] =	vst v63  }
0x19: {  	p0 =	sne.s32 s14, $0x1;
	_ =	swait.ge [sflag:s3], $0x1000  }
.Ltmp0:
0x1a: {  	[sflag:s3] =	ssyncset.done $0x0;
	(pc) =	sbr.rel @!p0 .LBB2_2-.Ltmp0, $4  }
0x1b: {  	s13 =	sadd.s32 $0x1400, s13;
	[sflag:s3] =	ssyncadd.s32 $0xFFFFF000  }
0x1c: {  	[hbm4b:s13+s2] =	stream.linear.scatter [tilespmem:s10], [sflag:$0x2], $0x4000, $0x38;
	[tilespmem:$0x5100] =	vst v63  }
0x1d: {  	_ =	swait.ge [sflag:s3], $0x4000  }
0x1e: {  	s14 =	sadd.s32 $0xFFFFFFFF, s14;
	[sflag:s3] =	ssyncset.done $0x0  }
.LBB2_1:
0x1f: {  	p0 =	sne.s32 s14, $0x1;
	s14 =	sadd.s32 $0xFFFFFFFF, s14;
	[sflag:s3] =	ssyncadd.s32 $0xFFFFC000  }
0x20: {  	[tilespmem:s2], [sflag:$0x2] =	stream.linear.gather [hbm4b:s4+s2], $0x20, $0x38;
	[tilespmem:$0x5100] =	vst v63  }
0x21: {  	_ =	swait.ge [sflag:s3], $0x20  }
0x22: {  	[sflag:s3] =	ssyncset.done $0x0  }
0x23: {  	[sflag:s3] =	ssyncadd.s32 $0xFFFFFFE0  }
0x24: {  	[tilespmem:s6], [sflag:$0x2] =	stream.linear.gather [hbm4b:s5+s2], $0x80, $0x38;
	[tilespmem:$0x5100] =	vst v63  }
0x25: {  	_ =	swait.ge [sflag:s3], $0x80  }
0x26: {  	[sflag:s3] =	ssyncset.done $0x0  }
0x27: {  	[sflag:s3] =	ssyncadd.s32 $0xFFFFFF80  }
0x28: {  	[tilespmem:s9], [sflag:$0x1] =	stream.indirect.gather [hbm4b:s7+s8], $0x80, s2, s8, $0xb8;
	[tilespmem:$0x5100] =	vst v63  }
0x29: {  	_ = 	snop  }
0x2a: {  	[tilespmem:s10], [sflag:$0x1] =	stream.indirect.gather [hbm4b:s7+s6], $0x80, s6, s6, $0xb8;
	[tilespmem:$0x5100] =	vst v63  }
0x2b: {  	_ =	swait.ge [sflag:s11], $0x1000  }
0x2c: {  	[sflag:s11] =	ssyncset.done $0x0  }
0x2d: {  	[sflag:s11] =	ssyncadd.s32 $0xFFFFF000  }
0x2e: {  	_ =	swait.ge [sflag:s11], $0x4000  }
0x2f: {  	[sflag:s11] =	ssyncset.done $0x0  }
0x30: {  	[sflag:s11] =	ssyncadd.s32 $0xFFFFC000  }
0x31: {  	[hbm4b:s12+s2] =	stream.linear.scatter [tilespmem:s9], [sflag:$0x2], $0x1000, $0x38;
	[tilespmem:$0x5100] =	vst v63  }
0x32: {  	_ =	swait.ge [sflag:s3], $0x1000  }
.Ltmp1:
0x33: {  	[sflag:s3] =	ssyncset.done $0x0;
	(pc) =	sbr.rel @p0 .LBB2_1-.Ltmp1, $4  }
0x34: {  	[sflag:s3] =	ssyncadd.s32 $0xFFFFF000  }
0x35: {  	[hbm4b:s13+s2] =	stream.linear.scatter [tilespmem:s10], [sflag:$0x2], $0x4000, $0x38;
	[tilespmem:$0x5100] =	vst v63  }
0x36: {  	_ =	swait.ge [sflag:s3], $0x4000  }
0x37: {  	[sflag:s3] =	ssyncset.done $0x0  }
.LBB2_2:
0x38: {  	[sflag:s3] =	ssyncadd.s32 $0xFFFFC000  }
0x39: {  	_ =	sfence.sel $0x180000  }
0x3a: {  	[bflag:$0x0] =	sbarrier.arrive $0xFFFF  }
0x3b: {  	p0 =	sne.s32 s0, $0x0;
	_ =	strace $0x90000047  }
0x3c: {  	s0 =	sadd.s32 @!p0 $0x100000, s1;
	[bflag:$0x2] =	sbarrier.arrive $0xFFFF  }
0x3d: {  	[sflag:s0] =	ssyncadd.tile.s32 @!p0 $0x1;
	_ =	shalt  }
.Lfunc_end2:
_tile_overlayer_lowered:
.L_overlay_start_2:
0x3e: {  	(tag) =	ssettag $0x2  }
0x3f: {  	s0 =	rddreg [dreg:$0x0];
	s2 =	stileid.u32  }
0x40: {  	s1 =	rddreg [dreg:$0x1];
	p0 =	sne.s32 s2, $0x0  }
0x41: {  	s3 =	rddreg [dreg:$0x2];
	[bflag:$0x3] =	sbarrier.arrive $0xFFFF;
	s2 =	simm.s32 @!p0 $0x1C02  }
0x42: {  	[timem:s3], [sflag:s2] =	dma.local @!p0 [hbm:s0], s1  }
0x43: {  	s0 =	simm.s32 @!p0 $0x2  }
0x44: {  	_ =	swait.ge @!p0 [sflag:s0], s1  }
0x45: {  	s1 =	ssub.s32 @!p0 $0x0, s1;
	[sflag:s0] =	ssyncset.done @!p0 $0x0  }
0x46: {  	[sflag:s0] =	ssyncadd.s32 @!p0 s1  }
0x47: {  	[bflag:$0x3] =	sbarrier.arrive $0xFFFF  }
0x48: {  	_ =	shalt  }

</sc_bundles>
